<compile_context>
chip_gen: v7x
topology: tpu7x:2x2x1
jax: 0.10.2.dev20260603
libtpu: 0.0.44.dev20260713+nightly
codegen_flags: <defaults>
</compile_context>

<pallas_src>
import functools

import jax
import jax.numpy as jnp
from jax import lax
from jax.experimental import pallas as pl
from jax.experimental.pallas import tpu as pltpu
from jax.experimental.pallas import tpu_sc as plsc

_B = 100000
_D = 128
_CH = 160
_NCHUNKS = _B // _CH

try:
    _info = plsc.get_sparse_core_info()
    _NC = _info.num_cores
    _NS = _info.num_subcores
except Exception:
    _NC, _NS = 2, 16
_NW = _NC * _NS
_BASE_NC = _NCHUNKS // _NW
_EXTRA = _NCHUNKS - _BASE_NC * _NW


def _emb_body(idx_hbm, table_hbm, out_hbm, idx_v, rows0, rows1, table_sh,
              gsem0, gsem1, wsem0, wsem1):
    sid = lax.axis_index("s")
    wid = sid * _NC + lax.axis_index("c")

    @pl.when(sid == 0)
    def _():
        pltpu.sync_copy(table_hbm, table_sh)

    plsc.subcore_barrier()

    has_extra = wid < _EXTRA
    n = _BASE_NC + has_extra.astype(jnp.int32)
    start = _BASE_NC * wid + jnp.minimum(wid, _EXTRA)
    base_row = pl.multiple_of(start * _CH, 8)

    pltpu.sync_copy(
        idx_hbm.at[pl.ds(base_row, _BASE_NC * _CH)],
        idx_v.at[pl.ds(0, _BASE_NC * _CH)],
    )

    @pl.when(has_extra)
    def _():
        pltpu.sync_copy(
            idx_hbm.at[pl.ds(base_row + _BASE_NC * _CH, _CH)],
            idx_v.at[pl.ds(_BASE_NC * _CH, _CH)],
        )

    def fire_gather(t, buf, gsem):
        off = pl.multiple_of(t * _CH, 8)
        pltpu.async_copy(
            table_sh.at[idx_v.at[pl.ds(off, _CH)]], buf, gsem)

    def wait_gather(buf, gsem):
        pltpu.make_async_copy(
            table_sh.at[idx_v.at[pl.ds(0, _CH)]], buf, gsem
        ).wait()

    def fire_write(t, buf, wsem):
        off = pl.multiple_of(t * _CH, 8)
        pltpu.async_copy(buf, out_hbm.at[pl.ds(base_row + off, _CH)], wsem)

    def wait_write(buf, wsem):
        pltpu.make_async_copy(
            buf, out_hbm.at[pl.ds(base_row, _CH)], wsem
        ).wait()

    fire_gather(0, rows0, gsem0)

    def body(t, carry):
        is0 = (t % 2) == 0

        @pl.when((t >= 1) & is0)
        def _():
            wait_write(rows1, wsem1)

        @pl.when((t >= 1) & jnp.logical_not(is0))
        def _():
            wait_write(rows0, wsem0)

        @pl.when((t + 1 < n) & is0)
        def _():
            fire_gather(t + 1, rows1, gsem1)

        @pl.when((t + 1 < n) & jnp.logical_not(is0))
        def _():
            fire_gather(t + 1, rows0, gsem0)

        @pl.when(is0)
        def _():
            wait_gather(rows0, gsem0)
            fire_write(t, rows0, wsem0)

        @pl.when(jnp.logical_not(is0))
        def _():
            wait_gather(rows1, gsem1)
            fire_write(t, rows1, wsem1)

        return carry

    lax.fori_loop(0, n, body, 0)

    last_is0 = ((n - 1) % 2) == 0

    @pl.when(last_is0)
    def _():
        wait_write(rows0, wsem0)

    @pl.when(jnp.logical_not(last_is0))
    def _():
        wait_write(rows1, wsem1)


def kernel(node_types, type_embeddings):
    node_types = node_types.astype(jnp.int32)
    type_embeddings = type_embeddings.astype(jnp.float32)

    mesh = plsc.VectorSubcoreMesh(core_axis_name="c", subcore_axis_name="s")
    run = functools.partial(
        pl.kernel,
        mesh=mesh,
        out_type=jax.ShapeDtypeStruct((_B, _D), jnp.float32),
        scratch_types=[
            pltpu.VMEM(((_BASE_NC + 1) * _CH,), jnp.int32),
            pltpu.VMEM((_CH, _D), jnp.float32),
            pltpu.VMEM((_CH, _D), jnp.float32),
            pltpu.VMEM_SHARED((16, _D), jnp.float32),
            pltpu.SemaphoreType.DMA,
            pltpu.SemaphoreType.DMA,
            pltpu.SemaphoreType.DMA,
            pltpu.SemaphoreType.DMA,
        ],
    )(_emb_body)
    return run(node_types, type_embeddings)

# --- scband reference (transcript-rebuilt; emitter-appended) ---
"""Pipeline reference for scband-heterogeneous-node-embedding-24034636989287 (READ-ONLY COPY).

The authoritative reference and input builder live on the scoring server;
editing this copy changes nothing except your own understanding.
"""

import jax, jax.numpy as jnp
import numpy as np

NUM_NODE_TYPES = 16
EMBEDDING_DIM = 128
NUM_NODES = 100000


def setup_inputs(seed: int = 0) -> dict:
    key = jax.random.key(seed)
    k1, k2 = jax.random.split(key)
    node_types = jax.random.randint(k1, (NUM_NODES,), 0, NUM_NODE_TYPES, dtype=jnp.int64 if jax.config.jax_enable_x64 else jnp.int32)
    # learned type embedding table (nn.Embedding default init ~ N(0,1))
    type_embeddings = jax.random.normal(k2, (NUM_NODE_TYPES, EMBEDDING_DIM), dtype=jnp.float32)
    return {"node_types": node_types, "type_embeddings": type_embeddings}


def reference(node_types, type_embeddings):
    # embeddings = self.type_embeddings(node_types); feature_projections is None
    embeddings = jnp.take(type_embeddings, node_types, axis=0)
    return embeddings


if False:  # reference __main__ guard neutralized (emitter)
    inp = setup_inputs()
    out = reference(**inp)
    print(out.shape, out.dtype)

if __name__ == "__main__":
    import jax
    _d = setup_inputs()
    print(jax.jit(kernel)(*tuple(_d.values())))

</pallas_src>

<mosaic_0001>
#map = affine_map<(d0, d1) -> (0)>
#map1 = affine_map<(d0, d1) -> (0, 0)>
module attributes {stable_mosaic.version = 14 : i64} {
  func.func @_emb_body(%arg0: i32, %arg1: i32, %arg2: memref<100000xi32, #tpu.memory_space<hbm>>, %arg3: memref<16x128xf32, #tpu.memory_space<hbm>>, %arg4: memref<100000x128xf32, #tpu.memory_space<hbm>>, %arg5: memref<3200xi32, #tpu.memory_space<vmem>>, %arg6: memref<160x128xf32, #tpu.memory_space<vmem>>, %arg7: memref<160x128xf32, #tpu.memory_space<vmem>>, %arg8: memref<16x128xf32, #tpu.memory_space<vmem_shared>>, %arg9: memref<!tpu.dma_semaphore, #tpu.memory_space<semaphore_mem>>, %arg10: memref<!tpu.dma_semaphore, #tpu.memory_space<semaphore_mem>>, %arg11: memref<!tpu.dma_semaphore, #tpu.memory_space<semaphore_mem>>, %arg12: memref<!tpu.dma_semaphore, #tpu.memory_space<semaphore_mem>>) attributes {dimension_semantics = [#tpu.dimension_semantics<core_parallel>, #tpu.dimension_semantics<subcore_parallel>], iteration_bounds = array<i64: 2, 16>, scalar_prefetch = 0 : i64, scratch_operands = 8 : i64, tpu.core_type = #tpu.core_type<sc_vector_subcore>, window_params = [{transform_indices = #map}, {transform_indices = #map1}, {transform_indices = #map1}]} {
    %mul3A = arith.constant 2 : i32
    %mul3A_0 = arith.muli %arg1, %mul3A : i32
    %add3A = arith.addi %mul3A_0, %arg0 : i32
    %eq3A = arith.constant 0 : i32
    %eq3A_1 = arith.cmpi eq, %arg1, %eq3A : i32
    %convert_element_type3A = arith.extui %eq3A_1 : i1 to i32
    %cond3A = arith.constant 0 : i32
    %cond3A_2 = arith.cmpi ne, %convert_element_type3A, %cond3A : i32
    scf.if %cond3A_2 {
      "tpu.region"() ({
        %run_scoped3A = tpu.sem_alloc : memref<!tpu.dma_semaphore, #tpu.memory_space<semaphore_mem>>
        tpu.enqueue_dma source(%arg3 : memref<16x128xf32, #tpu.memory_space<hbm>>) target(%arg8 : memref<16x128xf32, #tpu.memory_space<vmem_shared>>) target_semaphore(%run_scoped3A : memref<!tpu.dma_semaphore, #tpu.memory_space<semaphore_mem>>)
        tpu.wait_dma2 semaphore(%run_scoped3A : memref<!tpu.dma_semaphore, #tpu.memory_space<semaphore_mem>>) src(%arg3 : memref<16x128xf32, #tpu.memory_space<hbm>>) dst(%arg8 : memref<16x128xf32, #tpu.memory_space<vmem_shared>>)
        tpu.yield
      }) : () -> ()
    } else {
    }
    %barrier3A = arith.constant 0 : index
    tpu.barrier barrier_id(%barrier3A)
    %lt3A = arith.constant 17 : i32
    %lt3A_3 = arith.cmpi slt, %add3A, %lt3A : i32
    %convert_element_type3A_4 = arith.extui %lt3A_3 : i1 to i32
    %add3A_5 = arith.constant 19 : i32
    %add3A_6 = arith.addi %add3A_5, %convert_element_type3A_4 : i32
    %mul3A_7 = arith.constant 19 : i32
    %mul3A_8 = arith.muli %mul3A_7, %add3A : i32
    %min3A = arith.constant 17 : i32
    %min3A_9 = arith.minsi %add3A, %min3A : i32
    %add3A_10 = arith.addi %mul3A_8, %min3A_9 : i32
    %mul3A_11 = arith.constant 160 : i32
    %mul3A_12 = arith.muli %add3A_10, %mul3A_11 : i32
    %multiple_of3A = tpu.assume_multiple %mul3A_12, 8 : i32
    "tpu.region"() ({
      %run_scoped3A = tpu.sem_alloc : memref<!tpu.dma_semaphore, #tpu.memory_space<semaphore_mem>>
      %dma_start3A_51 = arith.constant 0 : i32
      %dma_start3A_52 = tpu.memref_slice %arg5[%dma_start3A_51] : memref<3200xi32, #tpu.memory_space<vmem>> -> memref<3040xi32, #tpu.memory_space<vmem>>
      %dma_start3A_53 = tpu.memref_slice %arg2[%multiple_of3A] : memref<100000xi32, #tpu.memory_space<hbm>> -> memref<3040xi32, #tpu.memory_space<hbm>>
      %dma_start3A_54 = arith.constant 0 : i32
      %dma_start3A_55 = tpu.memref_slice %arg5[%dma_start3A_54] : memref<3200xi32, #tpu.memory_space<vmem>> -> memref<3040xi32, #tpu.memory_space<vmem>>
      %dma_start3A_56 = tpu.memref_slice %arg2[%multiple_of3A] : memref<100000xi32, #tpu.memory_space<hbm>> -> memref<3040xi32, #tpu.memory_space<hbm>>
      tpu.enqueue_dma source(%dma_start3A_56 : memref<3040xi32, #tpu.memory_space<hbm>>) target(%dma_start3A_55 : memref<3040xi32, #tpu.memory_space<vmem>>) target_semaphore(%run_scoped3A : memref<!tpu.dma_semaphore, #tpu.memory_space<semaphore_mem>>)
      %dma_wait3A = arith.constant 0 : i32
      %dma_wait3A_57 = tpu.memref_slice %arg5[%dma_wait3A] : memref<3200xi32, #tpu.memory_space<vmem>> -> memref<3040xi32, #tpu.memory_space<vmem>>
      %dma_wait3A_58 = tpu.memref_slice %arg2[%multiple_of3A] : memref<100000xi32, #tpu.memory_space<hbm>> -> memref<3040xi32, #tpu.memory_space<hbm>>
      %dma_wait3A_59 = arith.constant 0 : i32
      %dma_wait3A_60 = tpu.memref_slice %arg5[%dma_wait3A_59] : memref<3200xi32, #tpu.memory_space<vmem>> -> memref<3040xi32, #tpu.memory_space<vmem>>
      %dma_wait3A_61 = tpu.memref_slice %arg2[%multiple_of3A] : memref<100000xi32, #tpu.memory_space<hbm>> -> memref<3040xi32, #tpu.memory_space<hbm>>
      tpu.wait_dma2 semaphore(%run_scoped3A : memref<!tpu.dma_semaphore, #tpu.memory_space<semaphore_mem>>) src(%dma_wait3A_61 : memref<3040xi32, #tpu.memory_space<hbm>>) dst(%dma_wait3A_60 : memref<3040xi32, #tpu.memory_space<vmem>>)
      tpu.yield
    }) : () -> ()
    %convert_element_type3A_13 = arith.extui %lt3A_3 : i1 to i32
    %cond3A_14 = arith.constant 0 : i32
    %cond3A_15 = arith.cmpi ne, %convert_element_type3A_13, %cond3A_14 : i32
    scf.if %cond3A_15 {
      %add3A_51 = arith.constant 3040 : i32
      %add3A_52 = arith.addi %multiple_of3A, %add3A_51 : i32
      "tpu.region"() ({
        %run_scoped3A = tpu.sem_alloc : memref<!tpu.dma_semaphore, #tpu.memory_space<semaphore_mem>>
        %dma_start3A_53 = arith.constant 3040 : i32
        %dma_start3A_54 = tpu.memref_slice %arg5[%dma_start3A_53] : memref<3200xi32, #tpu.memory_space<vmem>> -> memref<160xi32, #tpu.memory_space<vmem>>
        %dma_start3A_55 = tpu.memref_slice %arg2[%add3A_52] : memref<100000xi32, #tpu.memory_space<hbm>> -> memref<160xi32, #tpu.memory_space<hbm>>
        %dma_start3A_56 = arith.constant 3040 : i32
        %dma_start3A_57 = tpu.memref_slice %arg5[%dma_start3A_56] : memref<3200xi32, #tpu.memory_space<vmem>> -> memref<160xi32, #tpu.memory_space<vmem>>
        %dma_start3A_58 = tpu.memref_slice %arg2[%add3A_52] : memref<100000xi32, #tpu.memory_space<hbm>> -> memref<160xi32, #tpu.memory_space<hbm>>
        tpu.enqueue_dma source(%dma_start3A_58 : memref<160xi32, #tpu.memory_space<hbm>>) target(%dma_start3A_57 : memref<160xi32, #tpu.memory_space<vmem>>) target_semaphore(%run_scoped3A : memref<!tpu.dma_semaphore, #tpu.memory_space<semaphore_mem>>)
        %dma_wait3A = arith.constant 3040 : i32
        %dma_wait3A_59 = tpu.memref_slice %arg5[%dma_wait3A] : memref<3200xi32, #tpu.memory_space<vmem>> -> memref<160xi32, #tpu.memory_space<vmem>>
        %dma_wait3A_60 = tpu.memref_slice %arg2[%add3A_52] : memref<100000xi32, #tpu.memory_space<hbm>> -> memref<160xi32, #tpu.memory_space<hbm>>
        %dma_wait3A_61 = arith.constant 3040 : i32
        %dma_wait3A_62 = tpu.memref_slice %arg5[%dma_wait3A_61] : memref<3200xi32, #tpu.memory_space<vmem>> -> memref<160xi32, #tpu.memory_space<vmem>>
        %dma_wait3A_63 = tpu.memref_slice %arg2[%add3A_52] : memref<100000xi32, #tpu.memory_space<hbm>> -> memref<160xi32, #tpu.memory_space<hbm>>
        tpu.wait_dma2 semaphore(%run_scoped3A : memref<!tpu.dma_semaphore, #tpu.memory_space<semaphore_mem>>) src(%dma_wait3A_63 : memref<160xi32, #tpu.memory_space<hbm>>) dst(%dma_wait3A_62 : memref<160xi32, #tpu.memory_space<vmem>>)
        tpu.yield
      }) : () -> ()
    } else {
    }
    %multiple_of3A_16 = arith.constant 0 : i32
    %multiple_of3A_17 = tpu.assume_multiple %multiple_of3A_16, 8 : i32
    %dma_start3A = tpu.memref_slice %arg5[%multiple_of3A_17] : memref<3200xi32, #tpu.memory_space<vmem>> -> memref<160xi32, #tpu.memory_space<vmem>>
    %dma_start3A_18 = arith.constant 0 : i32
    %dma_start3A_19 = arith.constant 0 : i32
    %dma_start3A_20 = tpu.memref_slice %arg8[%dma_start3A_18, %dma_start3A_19] : memref<16x128xf32, #tpu.memory_space<vmem_shared>> -> memref<16x128xf32, #tpu.memory_space<vmem_shared>>
    tpu.enqueue_indirect_dma source(%dma_start3A_20 : memref<16x128xf32, #tpu.memory_space<vmem_shared>>) target(%arg6 : memref<160x128xf32, #tpu.memory_space<vmem>>) offsets(%dma_start3A : memref<160xi32, #tpu.memory_space<vmem>>) semaphore(%arg9 : memref<!tpu.dma_semaphore, #tpu.memory_space<semaphore_mem>>)
    %while3A = arith.constant 0 : i32
    %while3A_21 = arith.constant 0 : i32
    %while3A_22 = arith.subi %add3A_6, %while3A_21 : i32
    %while3A_23 = arith.addi %while3A_21, %while3A_22 : i32
    %while3A_24 = arith.constant 1 : i32
    %while3A_25 = arith.divsi %while3A_22, %while3A_24 : i32
    %while3A_26 = arith.muli %while3A_25, %while3A_24 : i32
    %while3A_27 = arith.addi %while3A_21, %while3A_26 : i32
    %while3A_28 = arith.constant 1 : i32
    scf.for %while3A_51 = %while3A_21 to %while3A_27 step %while3A_28  : i32 {
      %jit3A_52 = arith.constant 2 : i32
      %eq3A_53 = arith.constant 0 : i32
      %eq3A_54 = arith.cmpi eq, %jit3A_52, %eq3A_53 : i32
      %jit3A_55 = arith.constant 1 : i32
      %select_n3A_56 = arith.select %eq3A_54, %jit3A_55, %jit3A_52 : i32
      %rem3A_57 = arith.remsi %while3A_51, %select_n3A_56 : i32
      %ne3A_58 = arith.constant 0 : i32
      %ne3A_59 = arith.cmpi ne, %rem3A_57, %ne3A_58 : i32
      %lt3A_60 = arith.constant 0 : i32
      %lt3A_61 = arith.cmpi slt, %rem3A_57, %lt3A_60 : i32
      %lt3A_62 = arith.constant 0 : i32
      %lt3A_63 = arith.cmpi slt, %select_n3A_56, %lt3A_62 : i32
      %ne3A_64 = arith.xori %lt3A_61, %lt3A_63 : i1
      %and3A_65 = arith.andi %ne3A_64, %ne3A_59 : i1
      %add3A_66 = arith.addi %rem3A_57, %select_n3A_56 : i32
      %select_n3A_67 = arith.select %and3A_65, %add3A_66, %rem3A_57 : i32
      %eq3A_68 = arith.constant 0 : i32
      %eq3A_69 = arith.cmpi eq, %select_n3A_67, %eq3A_68 : i32
      %ge3A = arith.constant 1 : i32
      %ge3A_70 = arith.cmpi sge, %while3A_51, %ge3A : i32
      %and3A_71 = arith.andi %ge3A_70, %eq3A_69 : i1
      %convert_element_type3A_72 = arith.extui %and3A_71 : i1 to i32
      %cond3A_73 = arith.constant 0 : i32
      %cond3A_74 = arith.cmpi ne, %convert_element_type3A_72, %cond3A_73 : i32
      scf.if %cond3A_74 {
        %dma_wait3A = arith.constant 0 : i32
        %dma_wait3A_107 = tpu.memref_slice %arg4[%multiple_of3A, %dma_wait3A] : memref<100000x128xf32, #tpu.memory_space<hbm>> -> memref<160x128xf32, #tpu.memory_space<hbm>>
        %dma_wait3A_108 = arith.constant 0 : i32
        %dma_wait3A_109 = tpu.memref_slice %arg4[%multiple_of3A, %dma_wait3A_108] : memref<100000x128xf32, #tpu.memory_space<hbm>> -> memref<160x128xf32, #tpu.memory_space<hbm>>
        tpu.wait_dma2 semaphore(%arg12 : memref<!tpu.dma_semaphore, #tpu.memory_space<semaphore_mem>>) src(%arg7 : memref<160x128xf32, #tpu.memory_space<vmem>>) dst(%dma_wait3A_109 : memref<160x128xf32, #tpu.memory_space<hbm>>)
      } else {
      }
      %ge3A_75 = arith.constant 1 : i32
      %ge3A_76 = arith.cmpi sge, %while3A_51, %ge3A_75 : i32
      %not3A_77 = arith.constant true
      %not3A_78 = arith.xori %eq3A_69, %not3A_77 : i1
      %and3A_79 = arith.andi %ge3A_76, %not3A_78 : i1
      %convert_element_type3A_80 = arith.extui %and3A_79 : i1 to i32
      %cond3A_81 = arith.constant 0 : i32
      %cond3A_82 = arith.cmpi ne, %convert_element_type3A_80, %cond3A_81 : i32
      scf.if %cond3A_82 {
        %dma_wait3A = arith.constant 0 : i32
        %dma_wait3A_107 = tpu.memref_slice %arg4[%multiple_of3A, %dma_wait3A] : memref<100000x128xf32, #tpu.memory_space<hbm>> -> memref<160x128xf32, #tpu.memory_space<hbm>>
        %dma_wait3A_108 = arith.constant 0 : i32
        %dma_wait3A_109 = tpu.memref_slice %arg4[%multiple_of3A, %dma_wait3A_108] : memref<100000x128xf32, #tpu.memory_space<hbm>> -> memref<160x128xf32, #tpu.memory_space<hbm>>
        tpu.wait_dma2 semaphore(%arg11 : memref<!tpu.dma_semaphore, #tpu.memory_space<semaphore_mem>>) src(%arg6 : memref<160x128xf32, #tpu.memory_space<vmem>>) dst(%dma_wait3A_109 : memref<160x128xf32, #tpu.memory_space<hbm>>)
      } else {
      }
      %add3A_83 = arith.constant 1 : i32
      %add3A_84 = arith.addi %while3A_51, %add3A_83 : i32
      %lt3A_85 = arith.cmpi slt, %add3A_84, %add3A_6 : i32
      %and3A_86 = arith.andi %lt3A_85, %eq3A_69 : i1
      %convert_element_type3A_87 = arith.extui %and3A_86 : i1 to i32
      %cond3A_88 = arith.constant 0 : i32
      %cond3A_89 = arith.cmpi ne, %convert_element_type3A_87, %cond3A_88 : i32
      scf.if %cond3A_89 {
        %add3A_107 = arith.constant 1 : i32
        %add3A_108 = arith.addi %while3A_51, %add3A_107 : i32
        %mul3A_109 = arith.constant 160 : i32
        %mul3A_110 = arith.muli %add3A_108, %mul3A_109 : i32
        %multiple_of3A_111 = tpu.assume_multiple %mul3A_110, 8 : i32
        %dma_start3A_112 = tpu.memref_slice %arg5[%multiple_of3A_111] : memref<3200xi32, #tpu.memory_space<vmem>> -> memref<160xi32, #tpu.memory_space<vmem>>
        %dma_start3A_113 = arith.constant 0 : i32
        %dma_start3A_114 = arith.constant 0 : i32
        %dma_start3A_115 = tpu.memref_slice %arg8[%dma_start3A_113, %dma_start3A_114] : memref<16x128xf32, #tpu.memory_space<vmem_shared>> -> memref<16x128xf32, #tpu.memory_space<vmem_shared>>
        tpu.enqueue_indirect_dma source(%dma_start3A_115 : memref<16x128xf32, #tpu.memory_space<vmem_shared>>) target(%arg7 : memref<160x128xf32, #tpu.memory_space<vmem>>) offsets(%dma_start3A_112 : memref<160xi32, #tpu.memory_space<vmem>>) semaphore(%arg10 : memref<!tpu.dma_semaphore, #tpu.memory_space<semaphore_mem>>)
      } else {
      }
      %add3A_90 = arith.constant 1 : i32
      %add3A_91 = arith.addi %while3A_51, %add3A_90 : i32
      %lt3A_92 = arith.cmpi slt, %add3A_91, %add3A_6 : i32
      %not3A_93 = arith.constant true
      %not3A_94 = arith.xori %eq3A_69, %not3A_93 : i1
      %and3A_95 = arith.andi %lt3A_92, %not3A_94 : i1
      %convert_element_type3A_96 = arith.extui %and3A_95 : i1 to i32
      %cond3A_97 = arith.constant 0 : i32
      %cond3A_98 = arith.cmpi ne, %convert_element_type3A_96, %cond3A_97 : i32
      scf.if %cond3A_98 {
        %add3A_107 = arith.constant 1 : i32
        %add3A_108 = arith.addi %while3A_51, %add3A_107 : i32
        %mul3A_109 = arith.constant 160 : i32
        %mul3A_110 = arith.muli %add3A_108, %mul3A_109 : i32
        %multiple_of3A_111 = tpu.assume_multiple %mul3A_110, 8 : i32
        %dma_start3A_112 = tpu.memref_slice %arg5[%multiple_of3A_111] : memref<3200xi32, #tpu.memory_space<vmem>> -> memref<160xi32, #tpu.memory_space<vmem>>
        %dma_start3A_113 = arith.constant 0 : i32
        %dma_start3A_114 = arith.constant 0 : i32
        %dma_start3A_115 = tpu.memref_slice %arg8[%dma_start3A_113, %dma_start3A_114] : memref<16x128xf32, #tpu.memory_space<vmem_shared>> -> memref<16x128xf32, #tpu.memory_space<vmem_shared>>
        tpu.enqueue_indirect_dma source(%dma_start3A_115 : memref<16x128xf32, #tpu.memory_space<vmem_shared>>) target(%arg6 : memref<160x128xf32, #tpu.memory_space<vmem>>) offsets(%dma_start3A_112 : memref<160xi32, #tpu.memory_space<vmem>>) semaphore(%arg9 : memref<!tpu.dma_semaphore, #tpu.memory_space<semaphore_mem>>)
      } else {
      }
      %convert_element_type3A_99 = arith.extui %eq3A_69 : i1 to i32
      %cond3A_100 = arith.constant 0 : i32
      %cond3A_101 = arith.cmpi ne, %convert_element_type3A_99, %cond3A_100 : i32
      scf.if %cond3A_101 {
        %dma_wait3A = arith.constant 0 : i32
        %dma_wait3A_107 = tpu.memref_slice %arg5[%dma_wait3A] : memref<3200xi32, #tpu.memory_space<vmem>> -> memref<160xi32, #tpu.memory_space<vmem>>
        %dma_wait3A_108 = arith.constant 0 : i32
        %dma_wait3A_109 = arith.constant 0 : i32
        %dma_wait3A_110 = tpu.memref_slice %arg8[%dma_wait3A_108, %dma_wait3A_109] : memref<16x128xf32, #tpu.memory_space<vmem_shared>> -> memref<16x128xf32, #tpu.memory_space<vmem_shared>>
        tpu.wait_indirect_dma semaphore(%arg9 : memref<!tpu.dma_semaphore, #tpu.memory_space<semaphore_mem>>) src(%dma_wait3A_110 : memref<16x128xf32, #tpu.memory_space<vmem_shared>>) dst(%arg6 : memref<160x128xf32, #tpu.memory_space<vmem>>)
        %mul3A_111 = arith.constant 160 : i32
        %mul3A_112 = arith.muli %while3A_51, %mul3A_111 : i32
        %multiple_of3A_113 = tpu.assume_multiple %mul3A_112, 8 : i32
        %add3A_114 = arith.addi %multiple_of3A, %multiple_of3A_113 : i32
        %dma_start3A_115 = arith.constant 0 : i32
        %dma_start3A_116 = tpu.memref_slice %arg4[%add3A_114, %dma_start3A_115] : memref<100000x128xf32, #tpu.memory_space<hbm>> -> memref<160x128xf32, #tpu.memory_space<hbm>>
        %dma_start3A_117 = arith.constant 0 : i32
        %dma_start3A_118 = tpu.memref_slice %arg4[%add3A_114, %dma_start3A_117] : memref<100000x128xf32, #tpu.memory_space<hbm>> -> memref<160x128xf32, #tpu.memory_space<hbm>>
        tpu.enqueue_dma source(%arg6 : memref<160x128xf32, #tpu.memory_space<vmem>>) target(%dma_start3A_118 : memref<160x128xf32, #tpu.memory_space<hbm>>) target_semaphore(%arg11 : memref<!tpu.dma_semaphore, #tpu.memory_space<semaphore_mem>>)
      } else {
      }
      %not3A_102 = arith.constant true
      %not3A_103 = arith.xori %eq3A_69, %not3A_102 : i1
      %convert_element_type3A_104 = arith.extui %not3A_103 : i1 to i32
      %cond3A_105 = arith.constant 0 : i32
      %cond3A_106 = arith.cmpi ne, %convert_element_type3A_104, %cond3A_105 : i32
      scf.if %cond3A_106 {
        %dma_wait3A = arith.constant 0 : i32
        %dma_wait3A_107 = tpu.memref_slice %arg5[%dma_wait3A] : memref<3200xi32, #tpu.memory_space<vmem>> -> memref<160xi32, #tpu.memory_space<vmem>>
        %dma_wait3A_108 = arith.constant 0 : i32
        %dma_wait3A_109 = arith.constant 0 : i32
        %dma_wait3A_110 = tpu.memref_slice %arg8[%dma_wait3A_108, %dma_wait3A_109] : memref<16x128xf32, #tpu.memory_space<vmem_shared>> -> memref<16x128xf32, #tpu.memory_space<vmem_shared>>
        tpu.wait_indirect_dma semaphore(%arg10 : memref<!tpu.dma_semaphore, #tpu.memory_space<semaphore_mem>>) src(%dma_wait3A_110 : memref<16x128xf32, #tpu.memory_space<vmem_shared>>) dst(%arg7 : memref<160x128xf32, #tpu.memory_space<vmem>>)
        %mul3A_111 = arith.constant 160 : i32
        %mul3A_112 = arith.muli %while3A_51, %mul3A_111 : i32
        %multiple_of3A_113 = tpu.assume_multiple %mul3A_112, 8 : i32
        %add3A_114 = arith.addi %multiple_of3A, %multiple_of3A_113 : i32
        %dma_start3A_115 = arith.constant 0 : i32
        %dma_start3A_116 = tpu.memref_slice %arg4[%add3A_114, %dma_start3A_115] : memref<100000x128xf32, #tpu.memory_space<hbm>> -> memref<160x128xf32, #tpu.memory_space<hbm>>
        %dma_start3A_117 = arith.constant 0 : i32
        %dma_start3A_118 = tpu.memref_slice %arg4[%add3A_114, %dma_start3A_117] : memref<100000x128xf32, #tpu.memory_space<hbm>> -> memref<160x128xf32, #tpu.memory_space<hbm>>
        tpu.enqueue_dma source(%arg7 : memref<160x128xf32, #tpu.memory_space<vmem>>) target(%dma_start3A_118 : memref<160x128xf32, #tpu.memory_space<hbm>>) target_semaphore(%arg12 : memref<!tpu.dma_semaphore, #tpu.memory_space<semaphore_mem>>)
      } else {
      }
    }
    %while3A_29 = arith.constant 1 : i32
    scf.for %while3A_51 = %while3A_27 to %while3A_23 step %while3A_29  : i32 {
      %jit3A_52 = arith.constant 2 : i32
      %eq3A_53 = arith.constant 0 : i32
      %eq3A_54 = arith.cmpi eq, %jit3A_52, %eq3A_53 : i32
      %jit3A_55 = arith.constant 1 : i32
      %select_n3A_56 = arith.select %eq3A_54, %jit3A_55, %jit3A_52 : i32
      %rem3A_57 = arith.remsi %while3A_51, %select_n3A_56 : i32
      %ne3A_58 = arith.constant 0 : i32
      %ne3A_59 = arith.cmpi ne, %rem3A_57, %ne3A_58 : i32
      %lt3A_60 = arith.constant 0 : i32
      %lt3A_61 = arith.cmpi slt, %rem3A_57, %lt3A_60 : i32
      %lt3A_62 = arith.constant 0 : i32
      %lt3A_63 = arith.cmpi slt, %select_n3A_56, %lt3A_62 : i32
      %ne3A_64 = arith.xori %lt3A_61, %lt3A_63 : i1
      %and3A_65 = arith.andi %ne3A_64, %ne3A_59 : i1
      %add3A_66 = arith.addi %rem3A_57, %select_n3A_56 : i32
      %select_n3A_67 = arith.select %and3A_65, %add3A_66, %rem3A_57 : i32
      %eq3A_68 = arith.constant 0 : i32
      %eq3A_69 = arith.cmpi eq, %select_n3A_67, %eq3A_68 : i32
      %ge3A = arith.constant 1 : i32
      %ge3A_70 = arith.cmpi sge, %while3A_51, %ge3A : i32
      %and3A_71 = arith.andi %ge3A_70, %eq3A_69 : i1
      %convert_element_type3A_72 = arith.extui %and3A_71 : i1 to i32
      %cond3A_73 = arith.constant 0 : i32
      %cond3A_74 = arith.cmpi ne, %convert_element_type3A_72, %cond3A_73 : i32
      scf.if %cond3A_74 {
        %dma_wait3A = arith.constant 0 : i32
        %dma_wait3A_107 = tpu.memref_slice %arg4[%multiple_of3A, %dma_wait3A] : memref<100000x128xf32, #tpu.memory_space<hbm>> -> memref<160x128xf32, #tpu.memory_space<hbm>>
        %dma_wait3A_108 = arith.constant 0 : i32
        %dma_wait3A_109 = tpu.memref_slice %arg4[%multiple_of3A, %dma_wait3A_108] : memref<100000x128xf32, #tpu.memory_space<hbm>> -> memref<160x128xf32, #tpu.memory_space<hbm>>
        tpu.wait_dma2 semaphore(%arg12 : memref<!tpu.dma_semaphore, #tpu.memory_space<semaphore_mem>>) src(%arg7 : memref<160x128xf32, #tpu.memory_space<vmem>>) dst(%dma_wait3A_109 : memref<160x128xf32, #tpu.memory_space<hbm>>)
      } else {
      }
      %ge3A_75 = arith.constant 1 : i32
      %ge3A_76 = arith.cmpi sge, %while3A_51, %ge3A_75 : i32
      %not3A_77 = arith.constant true
      %not3A_78 = arith.xori %eq3A_69, %not3A_77 : i1
      %and3A_79 = arith.andi %ge3A_76, %not3A_78 : i1
      %convert_element_type3A_80 = arith.extui %and3A_79 : i1 to i32
      %cond3A_81 = arith.constant 0 : i32
      %cond3A_82 = arith.cmpi ne, %convert_element_type3A_80, %cond3A_81 : i32
      scf.if %cond3A_82 {
        %dma_wait3A = arith.constant 0 : i32
        %dma_wait3A_107 = tpu.memref_slice %arg4[%multiple_of3A, %dma_wait3A] : memref<100000x128xf32, #tpu.memory_space<hbm>> -> memref<160x128xf32, #tpu.memory_space<hbm>>
        %dma_wait3A_108 = arith.constant 0 : i32
        %dma_wait3A_109 = tpu.memref_slice %arg4[%multiple_of3A, %dma_wait3A_108] : memref<100000x128xf32, #tpu.memory_space<hbm>> -> memref<160x128xf32, #tpu.memory_space<hbm>>
        tpu.wait_dma2 semaphore(%arg11 : memref<!tpu.dma_semaphore, #tpu.memory_space<semaphore_mem>>) src(%arg6 : memref<160x128xf32, #tpu.memory_space<vmem>>) dst(%dma_wait3A_109 : memref<160x128xf32, #tpu.memory_space<hbm>>)
      } else {
      }
      %add3A_83 = arith.constant 1 : i32
      %add3A_84 = arith.addi %while3A_51, %add3A_83 : i32
      %lt3A_85 = arith.cmpi slt, %add3A_84, %add3A_6 : i32
      %and3A_86 = arith.andi %lt3A_85, %eq3A_69 : i1
      %convert_element_type3A_87 = arith.extui %and3A_86 : i1 to i32
      %cond3A_88 = arith.constant 0 : i32
      %cond3A_89 = arith.cmpi ne, %convert_element_type3A_87, %cond3A_88 : i32
      scf.if %cond3A_89 {
        %add3A_107 = arith.constant 1 : i32
        %add3A_108 = arith.addi %while3A_51, %add3A_107 : i32
        %mul3A_109 = arith.constant 160 : i32
        %mul3A_110 = arith.muli %add3A_108, %mul3A_109 : i32
        %multiple_of3A_111 = tpu.assume_multiple %mul3A_110, 8 : i32
        %dma_start3A_112 = tpu.memref_slice %arg5[%multiple_of3A_111] : memref<3200xi32, #tpu.memory_space<vmem>> -> memref<160xi32, #tpu.memory_space<vmem>>
        %dma_start3A_113 = arith.constant 0 : i32
        %dma_start3A_114 = arith.constant 0 : i32
        %dma_start3A_115 = tpu.memref_slice %arg8[%dma_start3A_113, %dma_start3A_114] : memref<16x128xf32, #tpu.memory_space<vmem_shared>> -> memref<16x128xf32, #tpu.memory_space<vmem_shared>>
        tpu.enqueue_indirect_dma source(%dma_start3A_115 : memref<16x128xf32, #tpu.memory_space<vmem_shared>>) target(%arg7 : memref<160x128xf32, #tpu.memory_space<vmem>>) offsets(%dma_start3A_112 : memref<160xi32, #tpu.memory_space<vmem>>) semaphore(%arg10 : memref<!tpu.dma_semaphore, #tpu.memory_space<semaphore_mem>>)
      } else {
      }
      %add3A_90 = arith.constant 1 : i32
      %add3A_91 = arith.addi %while3A_51, %add3A_90 : i32
      %lt3A_92 = arith.cmpi slt, %add3A_91, %add3A_6 : i32
      %not3A_93 = arith.constant true
      %not3A_94 = arith.xori %eq3A_69, %not3A_93 : i1
      %and3A_95 = arith.andi %lt3A_92, %not3A_94 : i1
      %convert_element_type3A_96 = arith.extui %and3A_95 : i1 to i32
      %cond3A_97 = arith.constant 0 : i32
      %cond3A_98 = arith.cmpi ne, %convert_element_type3A_96, %cond3A_97 : i32
      scf.if %cond3A_98 {
        %add3A_107 = arith.constant 1 : i32
        %add3A_108 = arith.addi %while3A_51, %add3A_107 : i32
        %mul3A_109 = arith.constant 160 : i32
        %mul3A_110 = arith.muli %add3A_108, %mul3A_109 : i32
        %multiple_of3A_111 = tpu.assume_multiple %mul3A_110, 8 : i32
        %dma_start3A_112 = tpu.memref_slice %arg5[%multiple_of3A_111] : memref<3200xi32, #tpu.memory_space<vmem>> -> memref<160xi32, #tpu.memory_space<vmem>>
        %dma_start3A_113 = arith.constant 0 : i32
        %dma_start3A_114 = arith.constant 0 : i32
        %dma_start3A_115 = tpu.memref_slice %arg8[%dma_start3A_113, %dma_start3A_114] : memref<16x128xf32, #tpu.memory_space<vmem_shared>> -> memref<16x128xf32, #tpu.memory_space<vmem_shared>>
        tpu.enqueue_indirect_dma source(%dma_start3A_115 : memref<16x128xf32, #tpu.memory_space<vmem_shared>>) target(%arg6 : memref<160x128xf32, #tpu.memory_space<vmem>>) offsets(%dma_start3A_112 : memref<160xi32, #tpu.memory_space<vmem>>) semaphore(%arg9 : memref<!tpu.dma_semaphore, #tpu.memory_space<semaphore_mem>>)
      } else {
      }
      %convert_element_type3A_99 = arith.extui %eq3A_69 : i1 to i32
      %cond3A_100 = arith.constant 0 : i32
      %cond3A_101 = arith.cmpi ne, %convert_element_type3A_99, %cond3A_100 : i32
      scf.if %cond3A_101 {
        %dma_wait3A = arith.constant 0 : i32
        %dma_wait3A_107 = tpu.memref_slice %arg5[%dma_wait3A] : memref<3200xi32, #tpu.memory_space<vmem>> -> memref<160xi32, #tpu.memory_space<vmem>>
        %dma_wait3A_108 = arith.constant 0 : i32
        %dma_wait3A_109 = arith.constant 0 : i32
        %dma_wait3A_110 = tpu.memref_slice %arg8[%dma_wait3A_108, %dma_wait3A_109] : memref<16x128xf32, #tpu.memory_space<vmem_shared>> -> memref<16x128xf32, #tpu.memory_space<vmem_shared>>
        tpu.wait_indirect_dma semaphore(%arg9 : memref<!tpu.dma_semaphore, #tpu.memory_space<semaphore_mem>>) src(%dma_wait3A_110 : memref<16x128xf32, #tpu.memory_space<vmem_shared>>) dst(%arg6 : memref<160x128xf32, #tpu.memory_space<vmem>>)
        %mul3A_111 = arith.constant 160 : i32
        %mul3A_112 = arith.muli %while3A_51, %mul3A_111 : i32
        %multiple_of3A_113 = tpu.assume_multiple %mul3A_112, 8 : i32
        %add3A_114 = arith.addi %multiple_of3A, %multiple_of3A_113 : i32
        %dma_start3A_115 = arith.constant 0 : i32
        %dma_start3A_116 = tpu.memref_slice %arg4[%add3A_114, %dma_start3A_115] : memref<100000x128xf32, #tpu.memory_space<hbm>> -> memref<160x128xf32, #tpu.memory_space<hbm>>
        %dma_start3A_117 = arith.constant 0 : i32
        %dma_start3A_118 = tpu.memref_slice %arg4[%add3A_114, %dma_start3A_117] : memref<100000x128xf32, #tpu.memory_space<hbm>> -> memref<160x128xf32, #tpu.memory_space<hbm>>
        tpu.enqueue_dma source(%arg6 : memref<160x128xf32, #tpu.memory_space<vmem>>) target(%dma_start3A_118 : memref<160x128xf32, #tpu.memory_space<hbm>>) target_semaphore(%arg11 : memref<!tpu.dma_semaphore, #tpu.memory_space<semaphore_mem>>)
      } else {
      }
      %not3A_102 = arith.constant true
      %not3A_103 = arith.xori %eq3A_69, %not3A_102 : i1
      %convert_element_type3A_104 = arith.extui %not3A_103 : i1 to i32
      %cond3A_105 = arith.constant 0 : i32
      %cond3A_106 = arith.cmpi ne, %convert_element_type3A_104, %cond3A_105 : i32
      scf.if %cond3A_106 {
        %dma_wait3A = arith.constant 0 : i32
        %dma_wait3A_107 = tpu.memref_slice %arg5[%dma_wait3A] : memref<3200xi32, #tpu.memory_space<vmem>> -> memref<160xi32, #tpu.memory_space<vmem>>
        %dma_wait3A_108 = arith.constant 0 : i32
        %dma_wait3A_109 = arith.constant 0 : i32
        %dma_wait3A_110 = tpu.memref_slice %arg8[%dma_wait3A_108, %dma_wait3A_109] : memref<16x128xf32, #tpu.memory_space<vmem_shared>> -> memref<16x128xf32, #tpu.memory_space<vmem_shared>>
        tpu.wait_indirect_dma semaphore(%arg10 : memref<!tpu.dma_semaphore, #tpu.memory_space<semaphore_mem>>) src(%dma_wait3A_110 : memref<16x128xf32, #tpu.memory_space<vmem_shared>>) dst(%arg7 : memref<160x128xf32, #tpu.memory_space<vmem>>)
        %mul3A_111 = arith.constant 160 : i32
        %mul3A_112 = arith.muli %while3A_51, %mul3A_111 : i32
        %multiple_of3A_113 = tpu.assume_multiple %mul3A_112, 8 : i32
        %add3A_114 = arith.addi %multiple_of3A, %multiple_of3A_113 : i32
        %dma_start3A_115 = arith.constant 0 : i32
        %dma_start3A_116 = tpu.memref_slice %arg4[%add3A_114, %dma_start3A_115] : memref<100000x128xf32, #tpu.memory_space<hbm>> -> memref<160x128xf32, #tpu.memory_space<hbm>>
        %dma_start3A_117 = arith.constant 0 : i32
        %dma_start3A_118 = tpu.memref_slice %arg4[%add3A_114, %dma_start3A_117] : memref<100000x128xf32, #tpu.memory_space<hbm>> -> memref<160x128xf32, #tpu.memory_space<hbm>>
        tpu.enqueue_dma source(%arg7 : memref<160x128xf32, #tpu.memory_space<vmem>>) target(%dma_start3A_118 : memref<160x128xf32, #tpu.memory_space<hbm>>) target_semaphore(%arg12 : memref<!tpu.dma_semaphore, #tpu.memory_space<semaphore_mem>>)
      } else {
      }
    }
    %sub3A = arith.constant 1 : i32
    %sub3A_30 = arith.subi %add3A_6, %sub3A : i32
    %jit3A = arith.constant 2 : i32
    %eq3A_31 = arith.constant 0 : i32
    %eq3A_32 = arith.cmpi eq, %jit3A, %eq3A_31 : i32
    %jit3A_33 = arith.constant 1 : i32
    %select_n3A = arith.select %eq3A_32, %jit3A_33, %jit3A : i32
    %rem3A = arith.remsi %sub3A_30, %select_n3A : i32
    %ne3A = arith.constant 0 : i32
    %ne3A_34 = arith.cmpi ne, %rem3A, %ne3A : i32
    %lt3A_35 = arith.constant 0 : i32
    %lt3A_36 = arith.cmpi slt, %rem3A, %lt3A_35 : i32
    %lt3A_37 = arith.constant 0 : i32
    %lt3A_38 = arith.cmpi slt, %select_n3A, %lt3A_37 : i32
    %ne3A_39 = arith.xori %lt3A_36, %lt3A_38 : i1
    %and3A = arith.andi %ne3A_39, %ne3A_34 : i1
    %add3A_40 = arith.addi %rem3A, %select_n3A : i32
    %select_n3A_41 = arith.select %and3A, %add3A_40, %rem3A : i32
    %eq3A_42 = arith.constant 0 : i32
    %eq3A_43 = arith.cmpi eq, %select_n3A_41, %eq3A_42 : i32
    %convert_element_type3A_44 = arith.extui %eq3A_43 : i1 to i32
    %cond3A_45 = arith.constant 0 : i32
    %cond3A_46 = arith.cmpi ne, %convert_element_type3A_44, %cond3A_45 : i32
    scf.if %cond3A_46 {
      %dma_wait3A = arith.constant 0 : i32
      %dma_wait3A_51 = tpu.memref_slice %arg4[%multiple_of3A, %dma_wait3A] : memref<100000x128xf32, #tpu.memory_space<hbm>> -> memref<160x128xf32, #tpu.memory_space<hbm>>
      %dma_wait3A_52 = arith.constant 0 : i32
      %dma_wait3A_53 = tpu.memref_slice %arg4[%multiple_of3A, %dma_wait3A_52] : memref<100000x128xf32, #tpu.memory_space<hbm>> -> memref<160x128xf32, #tpu.memory_space<hbm>>
      tpu.wait_dma2 semaphore(%arg11 : memref<!tpu.dma_semaphore, #tpu.memory_space<semaphore_mem>>) src(%arg6 : memref<160x128xf32, #tpu.memory_space<vmem>>) dst(%dma_wait3A_53 : memref<160x128xf32, #tpu.memory_space<hbm>>)
    } else {
    }
    %not3A = arith.constant true
    %not3A_47 = arith.xori %eq3A_43, %not3A : i1
    %convert_element_type3A_48 = arith.extui %not3A_47 : i1 to i32
    %cond3A_49 = arith.constant 0 : i32
    %cond3A_50 = arith.cmpi ne, %convert_element_type3A_48, %cond3A_49 : i32
    scf.if %cond3A_50 {
      %dma_wait3A = arith.constant 0 : i32
      %dma_wait3A_51 = tpu.memref_slice %arg4[%multiple_of3A, %dma_wait3A] : memref<100000x128xf32, #tpu.memory_space<hbm>> -> memref<160x128xf32, #tpu.memory_space<hbm>>
      %dma_wait3A_52 = arith.constant 0 : i32
      %dma_wait3A_53 = tpu.memref_slice %arg4[%multiple_of3A, %dma_wait3A_52] : memref<100000x128xf32, #tpu.memory_space<hbm>> -> memref<160x128xf32, #tpu.memory_space<hbm>>
      tpu.wait_dma2 semaphore(%arg12 : memref<!tpu.dma_semaphore, #tpu.memory_space<semaphore_mem>>) src(%arg7 : memref<160x128xf32, #tpu.memory_space<vmem>>) dst(%dma_wait3A_53 : memref<160x128xf32, #tpu.memory_space<hbm>>)
    } else {
    }
    return
  }
}

</mosaic_0001>

<sc_bundles>
// kernel: kernel.3.cloned.1.call-start
scs
__scs_entry_jumppad:
0x0: {  	(pc) =	sbr.rel $0x88, $3  }
0x1: {  	(tag) =	ssettag $0x0;
	lr =	simm.s32 $0x1  }
0x2: {  	[smem:$0x3F9F] =	sst lr;
	_ =	strace $0xD0000000  }
0x3: {  	_ = 	snop  }
0x4: {  	_ = 	snop  }
0x5: {  	_ = 	snop  }
0x6: {  	_ = 	snop  }
0x7: {  	_ = 	snop  }
__scs_overlays_trampoline_lowered:
0x8: {  	[smem:$0x3FAE] =	sst s0  }
0x9: {  	[smem:$0x3FAF] =	sst s1  }
0xa: {  	[smem:$0x3FB0] =	sst s2  }
0xb: {  	[smem:$0x3FB1] =	sst s3  }
0xc: {  	[smem:$0x3FB2] =	sst s4  }
0xd: {  	[smem:$0x3FB3] =	sst s5  }
0xe: {  	[smem:$0x3FB4] =	sst s6  }
0xf: {  	[smem:$0x3FB5] =	sst s7  }
0x10: {  	[smem:$0x3FB6] =	sst s8  }
0x11: {  	[smem:$0x3FB7] =	sst s9;
	s0 =	simm.s32 @!p0 $0x0  }
0x12: {  	s1 =	sld [smem:$0x3F9D];
	s0 =	simm.s32 @p0 $0x1  }
0x13: {  	[smem:$0x3FB8] =	sst s0;
	s0 =	simm.s32 @!p1 $0x0  }
0x14: {  	s2 =	sld [smem:$0x3F9C];
	s0 =	simm.s32 @p1 $0x1  }
0x15: {  	[smem:$0x3FB9] =	sst s0;
	s0 =	simm.s32 @!p2 $0x0  }
0x16: {  	s3 =	sld [smem:$0x3FDB];
	s0 =	simm.s32 @p2 $0x1  }
0x17: {  	s4 =	simm.s32 $0x1BF5;
	[smem:$0x3FBB] =	sst s0  }
0x18: {  	s0 =	sld [smem:$0x3F9E];
	_ =	swait.ge [sflag:s4], $0x0  }
0x19: {  	s7 =	sld [smem:$0x3F9F]  }
0x1a: {  	s8 =	sadd.s32 $0xFFFFE003, lr  }
0x1b: {  	s9 =	sadd.s32 $0xFFFFFEF7, lr;
	s5 =	simm.s32 $0xFFFFFFFF;
	p2 =	slt.u32 s8, $0xFFFFF086  }
0x1c: {  	p1 =	slt.u32 s9, $0xF7A;
	s5 =	simm.s32 @!p2 $0x0  }
0x1d: {  	s5 =	simm.s32 @p1 $0x1;
	p0 =	seq.s32 s7, s2  }
0x1e: {  	s7 =	smul.u32 @!p0 $0xF7A, s2;
	p2 =	seq.s32 @!p0 s5, $0x0  }
0x1f: {  	s9 =	smul.u32 $0xF7A, s1;
	s8 =	simm.s32 @!p0 $0x1BF5;
	p2 =	por !p2, p0  }
0x20: {  	[sflag:s8] =	ssyncset.s32 @!p0 $0xFFFFF086;
	s6 =	sadd.s32 @!p0 s3, s7;
	s7 =	simm.s32 @!p0 $0x108  }
0x21: {  	s3 =	sadd.s32 s3, s9;
	s6 =	sadd.s32 @!p0 $0x88, s6;
	s7 =	simm.s32 @p2 $0x1082  }
0x22: {  	[simem:s7], [sflag:s8] =	dma.local @!p0 [hbm:s6], $0xF7A  }
0x23: {  	s9 =	sor.u32 $0xD0000000, s2;
	s6 =	simm.s32 $0x108;
	_ =	swait.ge @!p0 [sflag:s8], $0x0  }
0x24: {  	s3 =	sadd.s32 $0x88, s3;
	s6 =	simm.s32 @!p1 $0x1082;
	[sflag:s4] =	ssyncset.s32 $0xFFFFF086  }
0x25: {  	[simem:s6], [sflag:s4] =	dma.local [hbm:s3], $0xF7A  }
0x26: {  	[smem:$0x3F9F] =	sst s1;
	(tag) =	ssettag s2;
	_ =	strace s9  }
0x27: {  	s1 =	sld [smem:$0x3FAF]  }
0x28: {  	s2 =	sld [smem:$0x3FB0]  }
0x29: {  	s4 =	sld [smem:$0x3FB2]  }
0x2a: {  	p0 =	seq.s32 s5, $0x0;
	s5 =	sld [smem:$0x3FB3]  }
0x2b: {  	s6 =	sld [smem:$0x3FB4]  }
0x2c: {  	s7 =	sld [smem:$0x3FB5]  }
0x2d: {  	s3 =	simm.s32 $0x108;
	s8 =	sld [smem:$0x3FB6]  }
0x2e: {  	s3 =	simm.s32 @!p0 $0x1082;
	s9 =	sld [smem:$0x3FB7]  }
0x2f: {  	lr =	sadd.s32 s0, s3;
	s0 =	sld [smem:$0x3FAE]  }
0x30: {  	s3 =	sld [smem:$0x3FB1]  }
0x31: {  	[smem:$0x3FBA] =	sst s10  }
0x32: {  	s10 =	sld [smem:$0x3FB8];
	_ =	sdelay $0x3  }
0x33: {  	p0 =	seq.s32 s10, $0x1;
	s10 =	sld [smem:$0x3FBA];
	_ =	sdelay $0x3  }
0x34: {  	[smem:$0x3FBA] =	sst s10  }
0x35: {  	s10 =	sld [smem:$0x3FB9];
	_ =	sdelay $0x3  }
0x36: {  	p1 =	seq.s32 s10, $0x1;
	s10 =	sld [smem:$0x3FBA];
	_ =	sdelay $0x3  }
0x37: {  	[smem:$0x3FBA] =	sst s10  }
0x38: {  	s10 =	sld [smem:$0x3FBB]  }
0x39: {  	_ = 	snop;
	(pc) =	sbr.ind lr, $3  }
0x3a: {  	_ = 	snop  }
0x3b: {  	_ = 	snop  }
0x3c: {  	p2 =	seq.s32 s10, $0x1;
	s10 =	sld [smem:$0x3FBA]  }
0x3d: {  	_ =	shalt  }
0x3e: {  	_ =	shalt  }
0x3f: {  	_ =	shalt  }
0x40: {  	_ =	shalt  }
0x41: {  	_ =	shalt  }
0x42: {  	_ =	shalt  }
0x43: {  	_ =	shalt  }
0x44: {  	_ =	shalt  }
0x45: {  	_ =	shalt  }
0x46: {  	_ =	shalt  }
0x47: {  	_ =	shalt  }
0x48: {  	_ =	shalt  }
0x49: {  	_ =	shalt  }
0x4a: {  	_ =	shalt  }
0x4b: {  	_ =	shalt  }
0x4c: {  	_ =	shalt  }
0x4d: {  	_ =	shalt  }
0x4e: {  	_ =	shalt  }
0x4f: {  	_ =	shalt  }
0x50: {  	_ =	shalt  }
0x51: {  	_ =	shalt  }
0x52: {  	_ =	shalt  }
0x53: {  	_ =	shalt  }
0x54: {  	_ =	shalt  }
0x55: {  	_ =	shalt  }
0x56: {  	_ =	shalt  }
0x57: {  	_ =	shalt  }
0x58: {  	_ =	shalt  }
0x59: {  	_ =	shalt  }
0x5a: {  	_ =	shalt  }
0x5b: {  	_ =	shalt  }
0x5c: {  	_ =	shalt  }
0x5d: {  	_ =	shalt  }
0x5e: {  	_ =	shalt  }
0x5f: {  	_ =	shalt  }
0x60: {  	_ =	shalt  }
0x61: {  	_ =	shalt  }
0x62: {  	_ =	shalt  }
0x63: {  	_ =	shalt  }
0x64: {  	_ =	shalt  }
0x65: {  	_ =	shalt  }
0x66: {  	_ =	shalt  }
0x67: {  	_ =	shalt  }
0x68: {  	_ =	shalt  }
0x69: {  	_ =	shalt  }
0x6a: {  	_ =	shalt  }
0x6b: {  	_ =	shalt  }
0x6c: {  	_ =	shalt  }
0x6d: {  	_ =	shalt  }
0x6e: {  	_ =	shalt  }
0x6f: {  	_ =	shalt  }
0x70: {  	_ =	shalt  }
0x71: {  	_ =	shalt  }
0x72: {  	_ =	shalt  }
0x73: {  	_ =	shalt  }
0x74: {  	_ =	shalt  }
0x75: {  	_ =	shalt  }
0x76: {  	_ =	shalt  }
0x77: {  	_ =	shalt  }
0x78: {  	_ =	shalt  }
0x79: {  	_ =	shalt  }
0x7a: {  	_ =	shalt  }
0x7b: {  	_ =	shalt  }
0x7c: {  	_ =	shalt  }
0x7d: {  	_ =	shalt  }
0x7e: {  	_ =	shalt  }
0x7f: {  	_ =	shalt  }
0x80: {  	_ =	shalt  }
0x81: {  	_ =	shalt  }
0x82: {  	_ =	shalt  }
0x83: {  	_ =	shalt  }
0x84: {  	_ =	shalt  }
0x85: {  	_ =	shalt  }
0x86: {  	_ =	shalt  }
0x87: {  	_ =	shalt  }
.Lfunc_end0:
.L_simem_size_0:
called_computation_lowered:
.L_overlay_start_0:
0x88: {  	s2 =	sld [smem:$0x3FD9]  }
0x89: {  	s3 =	sld [smem:$0x3FFE];
	_ =	sdelay $0x1  }
0x8a: {  	s1 =	srdreg.scid  }
0x8b: {  	s0 =	sand.u32 $0x1, s1  }
0x8c: {  	s18 =	sshll.u32 s0, $0xA;
	s2 =	sadd.s32 s3, s2  }
0x8d: {  	s2 =	sadd.s32 s2, s18  }
0x8e: {  	[smem:$0x3FC6] =	sst s2  }
0x8f: {  	_ = 	snop  }
0x90: {  	s2 =	sld [smem:$0x3FC9]  }
0x91: {  	s19 =	sld [smem:$0x3FC8]  }
0x92: {  	s4 =	sld [smem:$0x3FD0];
	(tm) =	ssettm $0x1  }
0x93: {  	s5 =	sld [smem:$0x3FFB];
	_ =	sdelay $0x3  }
0x94: {  	_ =	strace s5  }
0x95: {  	s5 =	sld [smem:$0x3FFC];
	_ =	sdelay $0x3  }
0x96: {  	_ =	strace s5  }
0x97: {  	s5 =	sld [smem:$0x3FFD];
	_ =	sdelay $0x3  }
0x98: {  	_ =	strace s5  }
0x99: {  	_ =	strace $0x8FFFFFFF  }
0x9a: {  	s20 =	sld [smem:$0x3FDB];
	_ =	sdelay $0x1  }
0x9b: {  	s6 =	simm.s32 $_scs_section_size  }
0x9c: {  	s7 =	simm.s32 $_size__tile_overlayer_lowered;
	s8 =	simm.s32 $_tile_overlayer_lowered  }
0x9d: {  	s23 =	simm.s32 $0x1BFF;
	s22 =	sshll.u32 s8, $0x1;
	s5 =	sadd.s32 s6, s20  }
0x9e: {  	s9 =	simm.s32 $0x0;
	s21 =	sshll.u32 s7, $0x1;
	s7 =	sadd.s32 s22, s5  }
0x9f: {  	[timem:s9], [sflag:s23] =	dma.local [hbm:s7], s21  }
0xa0: {  	_ =	swait.ge [sflag:s23], s21  }
0xa1: {  	s6 =	ssub.s32 $0x0, s21;
	[sflag:s23] =	ssyncset.done $0x0  }
0xa2: {  	[sflag:s23] =	ssyncadd.s32 s6;
	_ =	sdelay $0x1  }
0xa3: {  	s24 =	simm.s32 $0x1B8B  }
0xa4: {  	_ =	swait.ge [sflag:s24], $0x1  }
0xa5: {  	[sflag:s24] =	ssyncset.done $0x0  }
0xa6: {  	s25 =	simm.s32 $0x1B8E;
	[sflag:s24] =	ssyncadd.s32 $0xFFFFFFFF  }
0xa7: {  	s26 =	simm.s32 $execute0_lowered;
	[smem:$0x3FD2] =	sst s25  }
0xa8: {  	s6 =	sshll.u32 s26, $0x1;
	_ =	strace $0x80000046;
	[dreg:$0x1] =	wrdreg $0xFFFFFFFF  }
0xa9: {  	s28 =	simm.s32 $_size_execute0_lowered;
	s5 =	sadd.s32 s5, s6;
	[dreg:$0x0] =	wrdreg $0x0  }
0xaa: {  	s6 =	sshll.u32 s28, $0x1;
	[dreg:$0x2] =	wrdreg s5  }
0xab: {  	[dreg:$0x3] =	wrdreg s6  }
0xac: {  	[dreg:$0x4] =	wrdreg $0xC0  }
0xad: {  	_ =	task [dreg:s9], $0x5FFFF  }
0xae: {  	[dreg:$0x1] =	wrdreg $0xFFFFFFFF  }
0xaf: {  	[dreg:$0x0] =	wrdreg $0x60  }
0xb0: {  	[dreg:$0x2] =	wrdreg s2  }
0xb1: {  	[dreg:$0x3] =	wrdreg s19  }
0xb2: {  	[dreg:$0x4] =	wrdreg s4  }
0xb3: {  	[dreg:$0x5] =	wrdreg $0xAC800  }
0xb4: {  	[dreg:$0x6] =	wrdreg $0x9  }
0xb5: {  	_ =	task.clear_ibuf [dreg:s9], $0x7FFFF;
	_ =	strace $0x90000046  }
0xb6: {  	s29 =	simm.s32 $0x9;
	_ =	strace $0x80000048  }
0xb7: {  	_ =	swait.ge [sflag:s29], $0x1  }
0xb8: {  	[sflag:s29] =	ssyncadd.s32 $0xFFFFFFFF  }
0xb9: {  	_ =	strace $0x90000048  }
0xba: {  	_ =	sfence  }
0xbb: {  	s30 =	sld [smem:$0x0];
	_ =	sdelay $0x2  }
0xbc: {  	s31 =	sshll.u32 s1, $0xD;
	s1 =	sshrl.u32 s1, $0x2  }
0xbd: {  	s3 =	sand.u32 $0x4000, s31;
	s1 =	sadd.s32 s1, s30  }
0xbe: {  	s0 =	sor.u32 s3, s0;
	s1 =	sshll.u32 s1, $0x11  }
0xbf: {  	s0 =	sor.u32 s1, s0  }
0xc0: {  	s0 =	sadd.s32 $0x8F2B, s0  }
0xc1: {  	[sflag:s0] =	ssyncadd.remote.s32 $0x1  }
0xc2: {  	_ =	sfence.sel $0xFFFF  }
0xc3: {  	[dreg:$0x0] =	wrdreg $0xFFFFFFFF;
	(pc) =	sbr.abs _section_cstart, $3  }
0xc4: {  	[dreg:$0x1] =	wrdreg $0xFFFFFFFF  }
0xc5: {  	_ =	task.clear_ibuf [dreg:s9], $0x2FFFF;
	_ =	strace $0x9FFFFFFF  }
0xc6: {  	(tm) =	ssettm $0x7FFFFFFF  }
0xc7: {  	_ =	shalt  }
tec
execute0_lowered:
.L_overlay_start_1:
0x0: {  	(tag) =	ssettag $0x1  }
0x1: {  	s5 =	rddreg [dreg:$0x0]  }
0x2: {  	s0 =	rddreg [dreg:$0x1]  }
0x3: {  	s1 =	srdreg.scid;
	s8 =	rddreg [dreg:$0x2]  }
0x4: {  	s10 =	stileid.u32;
	s2 =	rddreg [dreg:$0x3];
	s3 =	simm.s32 $0x0  }
0x5: {  	s16 =	simm.s32 $0x1;
	s6 =	sand.u32 $0x1, s1;
	s1 =	rddreg [dreg:$0x4]  }
0x6: {  	s17 =	simm.s32 $0x0;
	s26 =	sshll.u32 s10, $0x1;
	[smem:$0x7FF] =	sst s3  }
0x7: {  	s30 =	smul.u32 $0x17C00, s10;
	p1 =	sne.s32 s10, $0x0;
	s4 =	sor.u32 s6, s26  }
0x8: {  	s11 =	ssub.s32 $0x2, s6;
	_ =	strace $0x80000047;
	s7 =	smul.u32 $0x13, s4  }
0x9: {  	s14 =	smul.u32 $0xBE00, s6;
	s9 =	smin.u32 s4, $0x11;
	s12 =	sshrl.u32 s11, $0x1  }
0xa: {  	p0 =	sgt.u32 s4, $0x10;
	s15 =	smul.u32 $0xA00, s9;
	s7 =	sadd.s32 s9, s7  }
0xb: {  	s4 =	simm.s32 $0x13;
	s11 =	ssub.s32 s11, s12;
	s13 =	smul.u32 $0xA0, s7  }
0xc: {  	s4 =	simm.s32 @!p0 $0x14;
	s9 =	simm.s32 $0x3;
	s28 =	smul.u32 $0xA00, s7  }
0xd: {  	s12 =	simm.s32 $0x5;
	s7 =	smax.u32 s11, $0x1;
	s9 =	simm.s32 @!p0 $0x4  }
0xe: {  	s29 =	sshrl.u32 s13, $0x3;
	s13 =	sadd.s32 s30, s8;
	s8 =	sadd.s32 s8, s28  }
0xf: {  	s5 =	sadd.s32 s5, s29;
	s31 =	sadd.s32 s14, s13;
	s13 =	simm.s32 $0xA0  }
0x10: {  	s14 =	simm.s32 $0xC80;
	s6 =	sadd.s32 $0x17C, s5;
	s11 =	sadd.s32 s15, s31  }
0x11: {  	s15 =	simm.s32 $0x5C80;
	s10 =	sadd.s32 $0xA00, s11;
	s11 =	sshrl.u32 @!p1 s2, $0x3  }
.LBB2_1:
0x12: {  	s18 =	simm.s32 @!p1 $0x1C05  }
0x13: {  	[spmem:s11], [sflag:s18] =	dma.local @!p1 [hbm:s0], $0x100  }
0x14: {  	s18 =	simm.s32 @!p1 $0x5  }
0x15: {  	_ =	swait.ge @!p1 [sflag:s18], $0x100  }
0x16: {  	[sflag:s18] =	ssyncset.done @!p1 $0x0  }
0x17: {  	[sflag:s18] =	ssyncadd.s32 @!p1 $0xFFFFFF00  }
0x18: {  	[bflag:$0x0] =	sbarrier.arrive $0xFFFF  }
0x19: {  	[tilespmem:s3], [sflag:$0x5] =	stream.linear.gather [hbm4b:s5+s3], $0xBE0, $0x38;
	[tilespmem:$0xAD00] =	vst v63  }
0x1a: {  	_ =	swait.ge [sflag:s12], $0xBE0  }
0x1b: {  	[sflag:s12] =	ssyncset.done $0x0  }
0x1c: {  	s19 =	simm.s32 @!p0 $0xBE0;
	s18 =	simm.s32 @!p0 $0x0;
	[sflag:s12] =	ssyncadd.s32 $0xFFFFF420  }
0x1d: {  	[tilespmem:s19], [sflag:$0x5] =	stream.linear.gather @!p0 [hbm4b:s6+s18], $0xA0, $0x38;
	[tilespmem:$0xAD00] =	vst v63  }
0x1e: {  	s18 =	simm.s32 @!p0 $0x5  }
0x1f: {  	_ =	swait.ge @!p0 [sflag:s18], $0xA0  }
0x20: {  	[sflag:s18] =	ssyncset.done @!p0 $0x0  }
0x21: {  	[sflag:s18] =	ssyncadd.s32 @!p0 $0xFFFFFF60  }
0x22: {  	[tilespmem:s14], [sflag:$0x1] =	stream.indirect.gather [spmem:s2], $0x80, s3, s13, $0xb8;
	[tilespmem:$0xAD00] =	vst v63  }
0x23: {  	p3 =	sne.s32 s4, $0x3  }
0x24: {  	[tilespmem:s15], [sflag:$0x2] =	stream.indirect.gather [spmem:s2], $0x80, s13, s13, $0xb8;
	[tilespmem:$0xAD00] =	vst v63  }
.Ltmp0:
0x25: {  	s31 =	simm.s32 $0x1;
	(pc) =	sbr.rel @!p3 .LBB2_2-.Ltmp0, $4  }
0x26: {  	s21 =	simm.s32 $0x2;
	s20 =	simm.s32 $0x3;
	_ =	swait.ge [sflag:s16], $0x5000  }
0x27: {  	p4 =	por $0x0, $0x0;
	s22 =	sand.u32 $0x1, s31;
	[sflag:s16] =	ssyncset.done $0x0  }
0x28: {  	p2 =	seq.s32 s22, $0x1;
	s18 =	simm.s32 $0x140;
	[sflag:s16] =	ssyncadd.s32 $0xFFFFB000  }
0x29: {  	[hbm4b:s8+s3] =	stream.linear.scatter [tilespmem:s14], [sflag:$0x3], $0x5000, $0x38;
	[tilespmem:$0xAD00] =	vst v63  }
0x2a: {  	s19 =	simm.s32 @!p2 $0x4  }
0x2b: {  	p4 =	seq.s32 s22, $0x0;
	_ =	swait.ge @!p2 [sflag:s19], $0x5000  }
0x2c: {  	p3 =	por p2, p2;
	p5 =	sne.s32 s4, $0x4;
	[sflag:s19] =	ssyncset.done @!p2 $0x0  }
0x2d: {  	s31 =	simm.s32 $0x2;
	[sflag:s19] =	ssyncadd.s32 @!p3 $0xFFFFB000;
	s19 =	simm.s32 @!p4 $0x3  }
0x2e: {  	s23 =	smov.u32 s10;
	s24 =	simm.s32 @p3 $0x2;
	_ =	swait.ge @!p4 [sflag:s19], $0x5000  }
0x2f: {  	s25 =	simm.s32 @p3 $0x5C80;
	p2 =	sne.s32 s22, $0x0;
	[sflag:s19] =	ssyncset.done @!p4 $0x0  }
0x30: {  	s20 =	simm.s32 @!p2 $0x5C80;
	[sflag:s19] =	ssyncadd.s32 @!p4 $0xFFFFB000;
	s19 =	simm.s32 @!p2 $0xA0  }
0x31: {  	[tilespmem:s20], [sflag:$0x2] =	stream.indirect.gather @!p2 [spmem:s2], $0x80, s18, s19, $0xb8;
	[tilespmem:$0xAD00] =	vst v63  }
0x32: {  	s21 =	simm.s32 @!p2 $0x1;
	s19 =	simm.s32 @p3 $0xA0;
	s20 =	simm.s32 @p3 $0xC80  }
0x33: {  	[tilespmem:s20], [sflag:$0x1] =	stream.indirect.gather @p3 [spmem:s2], $0x80, s18, s19, $0xb8;
	[tilespmem:$0xAD00] =	vst v63  }
0x34: {  	s26 =	simm.s32 @p3 $0x0;
	s22 =	sand.u32 $0x1, s31;
	_ =	swait.ge @!p2 [sflag:s21], $0x5000  }
.Ltmp1:
0x35: {  	p4 =	por $0x1, $0x1;
	[sflag:s21] =	ssyncset.done @!p2 $0x0;
	(pc) =	sbr.rel @!p5 .LBB2_4-.Ltmp1, $4  }
0x36: {  	s18 =	simm.s32 @!p2 $0x0;
	[sflag:s21] =	ssyncadd.s32 @!p2 $0xFFFFB000;
	s21 =	simm.s32 @!p2 $0xC80  }
0x37: {  	[hbm4b:s10+s18] =	stream.linear.scatter @!p2 [tilespmem:s21], [sflag:$0x3], $0x5000, $0x38;
	[tilespmem:$0xAD00] =	vst v63  }
0x38: {  	s20 =	simm.s32 $0x4;
	s19 =	sadd.s32 $0xA00, s10;
	_ =	swait.ge @p3 [sflag:s24], $0x5000  }
0x39: {  	s18 =	simm.s32 $0x1E0;
	p2 =	seq.s32 s22, $0x1;
	[sflag:s24] =	ssyncset.done @p3 $0x0  }
.LBB2_5:
0x3a: {  	s21 =	smov.u32 s20;
	s28 =	simm.s32 @!p2 $0x4  }
0x3b: {  	s29 =	smov.u32 s20;
	s20 =	sadd.s32 $0x1, s20;
	[sflag:s24] =	ssyncadd.s32 @p3 $0xFFFFB000  }
0x3c: {  	[hbm4b:s23+s26] =	stream.linear.scatter @p3 [tilespmem:s25], [sflag:$0x4], $0x5000, $0x38;
	[tilespmem:$0xAD00] =	vst v63  }
0x3d: {  	p5 =	sne.s32 s4, s20;
	s23 =	smov.u32 s19;
	_ =	swait.ge @!p2 [sflag:s28], $0x5000  }
0x3e: {  	p6 =	seq.s32 s22, $0x0;
	p3 =	por p2, p2;
	[sflag:s28] =	ssyncset.done @!p2 $0x0  }
0x3f: {  	s24 =	simm.s32 @!p6 $0x3;
	[sflag:s28] =	ssyncadd.s32 @!p3 $0xFFFFB000  }
0x40: {  	_ =	swait.ge @!p6 [sflag:s24], $0x5000  }
0x41: {  	s19 =	sadd.s32 $0xA00, s19;
	p2 =	sne.s32 s22, $0x0;
	[sflag:s24] =	ssyncset.done @!p6 $0x0  }
0x42: {  	s22 =	simm.s32 @!p2 $0xA0;
	[sflag:s24] =	ssyncadd.s32 @!p6 $0xFFFFB000;
	s24 =	simm.s32 @!p2 $0x5C80  }
0x43: {  	[tilespmem:s24], [sflag:$0x2] =	stream.indirect.gather @!p2 [spmem:s2], $0x80, s18, s22, $0xb8;
	[tilespmem:$0xAD00] =	vst v63  }
0x44: {  	s25 =	simm.s32 @!p2 $0x1;
	s22 =	simm.s32 @p3 $0xA0;
	s24 =	simm.s32 @p3 $0xC80  }
0x45: {  	[tilespmem:s24], [sflag:$0x1] =	stream.indirect.gather @p3 [spmem:s2], $0x80, s18, s22, $0xb8;
	[tilespmem:$0xAD00] =	vst v63  }
0x46: {  	s24 =	simm.s32 @p3 $0x2;
	s18 =	sadd.s32 $0xA0, s18;
	_ =	swait.ge @!p2 [sflag:s25], $0x5000  }
.Ltmp2:
0x47: {  	s22 =	sadd.s32 $0xFFFFFFFF, s29;
	[sflag:s25] =	ssyncset.done @!p2 $0x0;
	(pc) =	sbr.rel @p5 .LBB2_5-.Ltmp2, $4  }
0x48: {  	s26 =	simm.s32 @!p2 $0xC80;
	[sflag:s25] =	ssyncadd.s32 @!p2 $0xFFFFB000;
	s25 =	simm.s32 @!p2 $0x0  }
0x49: {  	[hbm4b:s23+s25] =	stream.linear.scatter @!p2 [tilespmem:s26], [sflag:$0x3], $0x5000, $0x38;
	[tilespmem:$0xAD00] =	vst v63  }
0x4a: {  	s22 =	sand.u32 $0x1, s22;
	s25 =	simm.s32 @p3 $0x5C80;
	_ =	swait.ge @p3 [sflag:s24], $0x5000  }
0x4b: {  	p2 =	seq.s32 s22, $0x1;
	s26 =	simm.s32 @p3 $0x0;
	[sflag:s24] =	ssyncset.done @p3 $0x0  }
.LBB2_6:
0x4c: {  	p3 =	por !p3, !p4  }
0x4d: {  	s28 =	simm.s32 @!p2 $0x4;
	[sflag:s24] =	ssyncadd.s32 @!p3 $0xFFFFB000  }
0x4e: {  	[hbm4b:s23+s26] =	stream.linear.scatter @!p3 [tilespmem:s25], [sflag:$0x4], $0x5000, $0x38;
	[tilespmem:$0xAD00] =	vst v63  }
0x4f: {  	_ =	swait.ge @!p2 [sflag:s28], $0x5000  }
0x50: {  	p5 =	seq.s32 s22, $0x0;
	p3 =	por p2, p2;
	[sflag:s28] =	ssyncset.done @!p2 $0x0  }
0x51: {  	s23 =	simm.s32 @!p5 $0x3;
	[sflag:s28] =	ssyncadd.s32 @!p3 $0xFFFFB000  }
0x52: {  	_ =	swait.ge @!p5 [sflag:s23], $0x5000  }
0x53: {  	p4 =	sne.s32 s22, $0x0;
	[sflag:s23] =	ssyncset.done @!p5 $0x0  }
0x54: {  	s22 =	simm.s32 @!p4 $0xA0;
	[sflag:s23] =	ssyncadd.s32 @!p5 $0xFFFFB000;
	s23 =	simm.s32 @!p4 $0x5C80  }
0x55: {  	[tilespmem:s23], [sflag:$0x2] =	stream.indirect.gather @!p4 [spmem:s2], $0x80, s18, s22, $0xb8;
	[tilespmem:$0xAD00] =	vst v63  }
0x56: {  	s24 =	simm.s32 @!p4 $0x1;
	s22 =	simm.s32 @p3 $0xA0;
	s23 =	simm.s32 @p3 $0xC80  }
0x57: {  	[tilespmem:s23], [sflag:$0x1] =	stream.indirect.gather @p3 [spmem:s2], $0x80, s18, s22, $0xb8;
	[tilespmem:$0xAD00] =	vst v63  }
0x58: {  	_ =	swait.ge @!p4 [sflag:s24], $0x5000  }
0x59: {  	s25 =	simm.s32 @!p4 $0xC80;
	[sflag:s24] =	ssyncset.done @!p4 $0x0  }
0x5a: {  	s22 =	simm.s32 @p3 $0x2;
	[sflag:s24] =	ssyncadd.s32 @!p4 $0xFFFFB000;
	s24 =	simm.s32 @!p4 $0x0  }
0x5b: {  	[hbm4b:s19+s24] =	stream.linear.scatter @!p4 [tilespmem:s25], [sflag:$0x3], $0x5000, $0x38;
	[tilespmem:$0xAD00] =	vst v63  }
0x5c: {  	_ =	swait.ge @p3 [sflag:s22], $0x5000  }
0x5d: {  	s24 =	simm.s32 @p3 $0x5C80;
	[sflag:s22] =	ssyncset.done @p3 $0x0  }
0x5e: {  	s25 =	simm.s32 @p3 $0x0;
	[sflag:s22] =	ssyncadd.s32 @p3 $0xFFFFB000;
	s22 =	simm.s32 @p2 $0x4  }
0x5f: {  	[hbm4b:s19+s25] =	stream.linear.scatter @p3 [tilespmem:s24], [sflag:$0x4], $0x5000, $0x38;
	[tilespmem:$0xAD00] =	vst v63  }
0x60: {  	s21 =	sand.u32 $0x1, s21;
	_ =	swait.ge @p2 [sflag:s22], $0x5000  }
0x61: {  	p6 =	por !p2, !p2;
	p3 =	seq.s32 s21, $0x0;
	[sflag:s22] =	ssyncset.done @p2 $0x0  }
0x62: {  	p4 =	sge.u32 s20, s4;
	[sflag:s22] =	ssyncadd.s32 @p2 $0xFFFFB000;
	s22 =	simm.s32 @!p3 $0x3  }
0x63: {  	p5 =	por p4, p6;
	_ =	swait.ge @!p3 [sflag:s22], $0x5000  }
0x64: {  	s18 =	sadd.s32 $0xA0, s18;
	s20 =	simm.s32 @!p5 $0xA0;
	[sflag:s22] =	ssyncset.done @!p3 $0x0  }
0x65: {  	[sflag:s22] =	ssyncadd.s32 @!p3 $0xFFFFB000;
	p3 =	seq.s32 s21, $0x1;
	s21 =	simm.s32 @!p5 $0x5C80  }
0x66: {  	[tilespmem:s21], [sflag:$0x2] =	stream.indirect.gather @!p5 [spmem:s2], $0x80, s18, s20, $0xb8;
	[tilespmem:$0xAD00] =	vst v63  }
0x67: {  	p6 =	por !p3, !p3  }
0x68: {  	p4 =	por p4, p6  }
0x69: {  	s20 =	simm.s32 @!p4 $0xA0;
	s21 =	simm.s32 @!p4 $0xC80  }
0x6a: {  	[tilespmem:s21], [sflag:$0x1] =	stream.indirect.gather @!p4 [spmem:s2], $0x80, s18, s20, $0xb8;
	[tilespmem:$0xAD00] =	vst v63  }
0x6b: {  	s18 =	simm.s32 @p2 $0x1  }
0x6c: {  	_ =	swait.ge @p2 [sflag:s18], $0x5000  }
0x6d: {  	[sflag:s18] =	ssyncset.done @p2 $0x0  }
0x6e: {  	s19 =	sadd.s32 $0xA00, s19;
	[sflag:s18] =	ssyncadd.s32 @p2 $0xFFFFB000;
	s18 =	simm.s32 @p3 $0x2  }
0x6f: {  	[hbm4b:s19+s25] =	stream.linear.scatter @p2 [tilespmem:s23], [sflag:$0x3], $0x5000, $0x38;
	[tilespmem:$0xAD00] =	vst v63  }
0x70: {  	_ =	swait.ge @p3 [sflag:s18], $0x5000  }
0x71: {  	s17 =	sadd.s32 $0x1, s17;
	s20 =	simm.s32 @p3 $0x5C80;
	[sflag:s18] =	ssyncset.done @p3 $0x0  }
0x72: {  	p2 =	sne.s32 s17, s7;
	[sflag:s18] =	ssyncadd.s32 @p3 $0xFFFFB000;
	s18 =	simm.s32 @p3 $0x0  }
0x73: {  	[hbm4b:s19+s18] =	stream.linear.scatter @p3 [tilespmem:s20], [sflag:$0x4], $0x5000, $0x38;
	[tilespmem:$0xAD00] =	vst v63  }
.Ltmp3:
0x74: {  	_ = 	snop;
	(pc) =	sbr.rel @p2 .LBB2_1-.Ltmp3, $4  }
.Ltmp4:
0x75: {  	_ = 	snop;
	(pc) =	sbr.rel @!p2 .LBB2_7-.Ltmp4, $4  }
0x76: {  	_ =	swait.ge [sflag:s9], $0x5000  }
0x77: {  	[sflag:s9] =	ssyncset.done $0x0  }
0x78: {  	[sflag:s9] =	ssyncadd.s32 $0xFFFFB000  }
0x79: {  	_ = 	snop  }
.LBB2_2:
.Ltmp5:
0x7a: {  	(pc) =	sbr.rel .LBB2_6-.Ltmp5, $2  }
0x7b: {  	_ =	sdelay $0x2  }
0x7c: {  	s19 =	smov.u32 s10  }
.LBB2_4:
.Ltmp6:
0x7d: {  	(pc) =	sbr.rel .LBB2_6-.Ltmp6, $2  }
0x7e: {  	_ =	sdelay $0x2  }
0x7f: {  	s21 =	simm.s32 $0x3;
	s23 =	smov.u32 s10  }
.LBB2_7:
0x80: {  	_ =	sfence.sel $0x180000  }
0x81: {  	[bflag:$0x0] =	sbarrier.arrive $0xFFFF  }
0x82: {  	_ =	strace $0x90000047  }
0x83: {  	s0 =	sadd.s32 @!p1 $0x100000, s1;
	[bflag:$0x2] =	sbarrier.arrive $0xFFFF  }
0x84: {  	[sflag:s0] =	ssyncadd.tile.s32 @!p1 $0x1;
	_ =	shalt  }
.Lfunc_end2:
_tile_overlayer_lowered:
.L_overlay_start_2:
0x85: {  	(tag) =	ssettag $0x2  }
0x86: {  	s0 =	rddreg [dreg:$0x0];
	s2 =	stileid.u32  }
0x87: {  	s1 =	rddreg [dreg:$0x1];
	p0 =	sne.s32 s2, $0x0  }
0x88: {  	s3 =	rddreg [dreg:$0x2];
	[bflag:$0x3] =	sbarrier.arrive $0xFFFF;
	s2 =	simm.s32 @!p0 $0x1C05  }
0x89: {  	[timem:s3], [sflag:s2] =	dma.local @!p0 [hbm:s0], s1  }
0x8a: {  	s0 =	simm.s32 @!p0 $0x5  }
0x8b: {  	_ =	swait.ge @!p0 [sflag:s0], s1  }
0x8c: {  	s1 =	ssub.s32 @!p0 $0x0, s1;
	[sflag:s0] =	ssyncset.done @!p0 $0x0  }
0x8d: {  	[sflag:s0] =	ssyncadd.s32 @!p0 s1  }
0x8e: {  	[bflag:$0x3] =	sbarrier.arrive $0xFFFF  }
0x8f: {  	_ =	shalt  }

</sc_bundles>
